<compile_context>
chip_gen: v7x
topology: tpu7x:2x2x1
jax: 0.10.2.dev20260603
libtpu: 0.0.44.dev20260713+nightly
codegen_flags: <defaults>
</compile_context>

<pallas_src>
import functools
import jax
import jax.numpy as jnp
from jax import lax
from jax.experimental import pallas as pl
from jax.experimental.pallas import tpu as pltpu
from jax.experimental.pallas import tpu_sc as plsc

B = 4096
D = 768
NUM_TASKS = 8
HEAD_DIM = 64
PADW = 128
BLK = 1024


def _heads_kernel(x_ref, w_ref, b_ref, h_ref, t_ref, w2d_ref):
    @pl.when(pl.program_id(0) == 0)
    def _build_w2d():
        for tt in range(NUM_TASKS):
            w2d_ref[:, tt * HEAD_DIM:(tt + 1) * HEAD_DIM] = w_ref[tt]

    xb = x_ref[...]
    feats = xb[:, :D]
    task = xb[:, D:]
    t = jnp.argmax(task, axis=-1)
    fo = jnp.tanh(feats)
    H = jnp.dot(fo, w2d_ref[...], preferred_element_type=jnp.float32)
    H = H + b_ref[...]
    h_ref[:, :, :HEAD_DIM] = H.reshape(BLK, NUM_TASKS, HEAD_DIM)
    t_ref[0, 0, :] = t.reshape(1, 1, BLK)[0, 0, :]


_SC_INFO = plsc.get_sparse_core_info()
_NC = _SC_INFO.num_cores
_NL = _SC_INFO.num_lanes
_NW = _NC * _SC_INFO.num_subcores
_BPW = B // _NW


def _sc_gather(h_hbm, t_hbm, out_hbm, t_v, idx_v, rows_v, sem):
    wid = lax.axis_index("s") * _NC + lax.axis_index("c")
    base = wid * _BPW
    pltpu.sync_copy(t_hbm.at[pl.ds(base, _BPW)], t_v)
    for j in range(_BPW // _NL):
        tok = jnp.full((_NL,), base + j * _NL, jnp.int32) + lax.iota(jnp.int32, _NL)
        idx_v[pl.ds(j * _NL, _NL)] = tok * NUM_TASKS + t_v[pl.ds(j * _NL, _NL)]
    pltpu.async_copy(h_hbm.at[idx_v], rows_v, sem).wait()
    pltpu.sync_copy(rows_v, out_hbm.at[pl.ds(base, _BPW)])


def kernel(x, W_gating, gating_bias, W_heads, b_heads):
    b2d = b_heads.reshape(1, NUM_TASKS * HEAD_DIM)
    grid = (B // BLK,)
    H4, t3 = pl.pallas_call(
        _heads_kernel,
        grid=grid,
        in_specs=[
            pl.BlockSpec((BLK, D + NUM_TASKS), lambda i: (i, 0)),
            pl.BlockSpec((NUM_TASKS, D, HEAD_DIM), lambda i: (0, 0, 0)),
            pl.BlockSpec((1, NUM_TASKS * HEAD_DIM), lambda i: (0, 0)),
        ],
        out_specs=[
            pl.BlockSpec((BLK, NUM_TASKS, PADW), lambda i: (i, 0, 0)),
            pl.BlockSpec((1, 1, BLK), lambda i: (i, 0, 0)),
        ],
        out_shape=[
            jax.ShapeDtypeStruct((B, NUM_TASKS, PADW), jnp.float32),
            jax.ShapeDtypeStruct((B // BLK, 1, BLK), jnp.int32),
        ],
        scratch_shapes=[pltpu.VMEM((D, NUM_TASKS * HEAD_DIM), jnp.float32)],
    )(x, W_heads, b2d)

    table = H4.reshape(B * NUM_TASKS, PADW)
    t = t3.reshape(B)

    mesh = plsc.VectorSubcoreMesh(core_axis_name="c", subcore_axis_name="s")
    sc = functools.partial(
        pl.kernel,
        mesh=mesh,
        out_type=jax.ShapeDtypeStruct((B, PADW), jnp.float32),
        scratch_types=[
            pltpu.VMEM((_BPW,), jnp.int32),
            pltpu.VMEM((_BPW,), jnp.int32),
            pltpu.VMEM((_BPW, PADW), jnp.float32),
            pltpu.SemaphoreType.DMA,
        ],
    )(_sc_gather)
    return sc(table, t)[:, :HEAD_DIM]

# --- scband reference (transcript-rebuilt; emitter-appended) ---
"""Pipeline reference for scband-sparse-mo-enetwork-27341761806751 (READ-ONLY COPY).

The authoritative reference and input builder live on the scoring server;
editing this copy changes nothing except your own understanding.
"""

import jax, jax.numpy as jnp
import numpy as np

B = 4096
D = 768
NUM_TASKS = 8
NUM_EXPERTS = 64
K_ACTIVE = 2
HEAD_DIM = 64


def setup_inputs(seed: int = 0) -> dict:
    key = jax.random.key(seed)
    ks = jax.random.split(key, 4)
    x = jax.random.normal(ks[0], (B, D + NUM_TASKS), dtype=jnp.float32)
    W_gating = jax.random.normal(ks[1], (NUM_TASKS, NUM_EXPERTS), dtype=jnp.float32) * (1.0 / np.sqrt(NUM_TASKS))
    gating_bias = jnp.zeros((NUM_EXPERTS,), dtype=jnp.float32)
    W_heads = jax.random.normal(ks[2], (NUM_TASKS, D, HEAD_DIM), dtype=jnp.float32) * np.sqrt(2.0 / D)
    b_heads = jnp.zeros((NUM_TASKS, HEAD_DIM), dtype=jnp.float32)
    return {"x": x, "W_gating": W_gating, "gating_bias": gating_bias, "W_heads": W_heads, "b_heads": b_heads}


def reference(x, W_gating, gating_bias, W_heads, b_heads):
    batch_dim = x.shape[0]
    task_idx = x[:, -NUM_TASKS:]
    feats = x[:, :-NUM_TASKS]
    # gating: Dense(num_routed, use_bias=False) applied to task one-hot block
    gating_logits = task_idx @ W_gating
    gating_scores = jax.nn.softmax(gating_logits, axis=-1)
    # load_balancing=True path: bias-adjusted top-k selection
    topk_idx = jnp.argsort(-gating_scores - gating_bias[None, :], axis=-1)[:, :K_ACTIVE]
    topk_logits = jnp.take_along_axis(gating_logits, topk_idx, axis=-1)
    topk_weights = jax.nn.softmax(topk_logits, axis=-1)
    # expert assignment stats (sowed intermediates in the original; dead for output)
    expert_one_hot = jax.nn.one_hot(topk_idx, num_classes=NUM_EXPERTS)
    expert_assignments = expert_one_hot.sum(axis=(0, 1))
    # depth=1 -> num_hidden_layers=0 -> identity experts (tile)
    routed_all = jnp.tile(feats[:, None, :], (1, NUM_EXPERTS, 1))
    batch_indices = jnp.arange(batch_dim)[:, None]
    routed_topk = routed_all[batch_indices, topk_idx]
    routed_weighted = jnp.einsum('bkw,bk->bw', routed_topk, topk_weights)
    # num_shared_experts=0 and num_hidden_layers=0 -> zeros_like(x)
    shared_weighted = jnp.zeros_like(feats)
    features_out = jnp.tanh(routed_weighted + shared_weighted)
    # vmapped per-task heads: Dense(head_dim) per task
    heads_out = jnp.einsum('bw,twh->bth', features_out, W_heads) + b_heads[None, :, :]
    task_indices = jnp.argmax(task_idx, axis=-1)
    out = heads_out[jnp.arange(batch_dim), task_indices]
    return out

if __name__ == "__main__":
    import jax
    _d = setup_inputs()
    print(jax.jit(kernel)(*tuple(_d.values())))

</pallas_src>

<mosaic_0001>
#map = affine_map<(d0, d1) -> (0, 0)>
#map1 = affine_map<(d0, d1) -> (0)>
module attributes {stable_mosaic.version = 14 : i64} {
  func.func @_sc_gather(%arg0: i32, %arg1: i32, %arg2: memref<32768x128xf32, #tpu.memory_space<hbm>>, %arg3: memref<4096xi32, #tpu.memory_space<hbm>>, %arg4: memref<4096x128xf32, #tpu.memory_space<hbm>>, %arg5: memref<128xi32, #tpu.memory_space<vmem>>, %arg6: memref<128xi32, #tpu.memory_space<vmem>>, %arg7: memref<128x128xf32, #tpu.memory_space<vmem>>, %arg8: memref<!tpu.dma_semaphore, #tpu.memory_space<semaphore_mem>>) attributes {dimension_semantics = [#tpu.dimension_semantics<core_parallel>, #tpu.dimension_semantics<subcore_parallel>], iteration_bounds = array<i64: 2, 16>, scalar_prefetch = 0 : i64, scratch_operands = 4 : i64, tpu.core_type = #tpu.core_type<sc_vector_subcore>, window_params = [{transform_indices = #map}, {transform_indices = #map1}, {transform_indices = #map}]} {
    %mul3A = arith.constant 2 : i32
    %mul3A_0 = arith.muli %arg1, %mul3A : i32
    %add3A = arith.addi %mul3A_0, %arg0 : i32
    %mul3A_1 = arith.constant 128 : i32
    %mul3A_2 = arith.muli %add3A, %mul3A_1 : i32
    "tpu.region"() ({
      %run_scoped3A = tpu.sem_alloc : memref<!tpu.dma_semaphore, #tpu.memory_space<semaphore_mem>>
      %dma_start3A_131 = tpu.memref_slice %arg3[%mul3A_2] : memref<4096xi32, #tpu.memory_space<hbm>> -> memref<128xi32, #tpu.memory_space<hbm>>
      %dma_start3A_132 = tpu.memref_slice %arg3[%mul3A_2] : memref<4096xi32, #tpu.memory_space<hbm>> -> memref<128xi32, #tpu.memory_space<hbm>>
      tpu.enqueue_dma source(%dma_start3A_132 : memref<128xi32, #tpu.memory_space<hbm>>) target(%arg5 : memref<128xi32, #tpu.memory_space<vmem>>) target_semaphore(%run_scoped3A : memref<!tpu.dma_semaphore, #tpu.memory_space<semaphore_mem>>)
      %dma_wait3A_133 = tpu.memref_slice %arg3[%mul3A_2] : memref<4096xi32, #tpu.memory_space<hbm>> -> memref<128xi32, #tpu.memory_space<hbm>>
      %dma_wait3A_134 = tpu.memref_slice %arg3[%mul3A_2] : memref<4096xi32, #tpu.memory_space<hbm>> -> memref<128xi32, #tpu.memory_space<hbm>>
      tpu.wait_dma2 semaphore(%run_scoped3A : memref<!tpu.dma_semaphore, #tpu.memory_space<semaphore_mem>>) src(%dma_wait3A_134 : memref<128xi32, #tpu.memory_space<hbm>>) dst(%arg5 : memref<128xi32, #tpu.memory_space<vmem>>)
      tpu.yield
    }) : () -> ()
    %add3A_3 = arith.constant 0 : i32
    %add3A_4 = arith.addi %mul3A_2, %add3A_3 : i32
    %broadcast_in_dim3A = vector.broadcast %add3A_4 : i32 to vector<16xi32>
    %iota3A = tpu.iota {dimensions = array<i32: 0>} : vector<16xi32>
    %add3A_5 = arith.addi %broadcast_in_dim3A, %iota3A : vector<16xi32>
    %mul3A_6 = arith.constant 8 : i32
    %mul3A_7 = vector.broadcast %mul3A_6 : i32 to vector<16xi32>
    %mul3A_8 = arith.muli %add3A_5, %mul3A_7 : vector<16xi32>
    %get3A = arith.constant 0 : index
    %get3A_9 = tpu.vector_load %arg5[%get3A] {strides = array<i32>} : memref<128xi32, #tpu.memory_space<vmem>>, vector<16xi32>,
    %get3A_10 = vector.shape_cast %get3A_9 : vector<16xi32> to vector<16xi32>
    %add3A_11 = arith.addi %mul3A_8, %get3A_10 : vector<16xi32>
    %swap3A = arith.constant 0 : index
    %swap3A_12 = tpu.vector_load %arg6[%swap3A] {strides = array<i32>} : memref<128xi32, #tpu.memory_space<vmem>>, vector<16xi32>,
    %swap3A_13 = vector.shape_cast %swap3A_12 : vector<16xi32> to vector<16xi32>
    %swap3A_14 = vector.shape_cast %add3A_11 : vector<16xi32> to vector<16xi32>
    tpu.vector_store %arg6[%swap3A], %swap3A_14 {strides = array<i32>} : memref<128xi32, #tpu.memory_space<vmem>>, vector<16xi32>,
    %add3A_15 = arith.constant 16 : i32
    %add3A_16 = arith.addi %mul3A_2, %add3A_15 : i32
    %broadcast_in_dim3A_17 = vector.broadcast %add3A_16 : i32 to vector<16xi32>
    %iota3A_18 = tpu.iota {dimensions = array<i32: 0>} : vector<16xi32>
    %add3A_19 = arith.addi %broadcast_in_dim3A_17, %iota3A_18 : vector<16xi32>
    %mul3A_20 = arith.constant 8 : i32
    %mul3A_21 = vector.broadcast %mul3A_20 : i32 to vector<16xi32>
    %mul3A_22 = arith.muli %add3A_19, %mul3A_21 : vector<16xi32>
    %get3A_23 = arith.constant 16 : index
    %get3A_24 = tpu.vector_load %arg5[%get3A_23] {strides = array<i32>} : memref<128xi32, #tpu.memory_space<vmem>>, vector<16xi32>,
    %get3A_25 = vector.shape_cast %get3A_24 : vector<16xi32> to vector<16xi32>
    %add3A_26 = arith.addi %mul3A_22, %get3A_25 : vector<16xi32>
    %swap3A_27 = arith.constant 16 : index
    %swap3A_28 = tpu.vector_load %arg6[%swap3A_27] {strides = array<i32>} : memref<128xi32, #tpu.memory_space<vmem>>, vector<16xi32>,
    %swap3A_29 = vector.shape_cast %swap3A_28 : vector<16xi32> to vector<16xi32>
    %swap3A_30 = vector.shape_cast %add3A_26 : vector<16xi32> to vector<16xi32>
    tpu.vector_store %arg6[%swap3A_27], %swap3A_30 {strides = array<i32>} : memref<128xi32, #tpu.memory_space<vmem>>, vector<16xi32>,
    %add3A_31 = arith.constant 32 : i32
    %add3A_32 = arith.addi %mul3A_2, %add3A_31 : i32
    %broadcast_in_dim3A_33 = vector.broadcast %add3A_32 : i32 to vector<16xi32>
    %iota3A_34 = tpu.iota {dimensions = array<i32: 0>} : vector<16xi32>
    %add3A_35 = arith.addi %broadcast_in_dim3A_33, %iota3A_34 : vector<16xi32>
    %mul3A_36 = arith.constant 8 : i32
    %mul3A_37 = vector.broadcast %mul3A_36 : i32 to vector<16xi32>
    %mul3A_38 = arith.muli %add3A_35, %mul3A_37 : vector<16xi32>
    %get3A_39 = arith.constant 32 : index
    %get3A_40 = tpu.vector_load %arg5[%get3A_39] {strides = array<i32>} : memref<128xi32, #tpu.memory_space<vmem>>, vector<16xi32>,
    %get3A_41 = vector.shape_cast %get3A_40 : vector<16xi32> to vector<16xi32>
    %add3A_42 = arith.addi %mul3A_38, %get3A_41 : vector<16xi32>
    %swap3A_43 = arith.constant 32 : index
    %swap3A_44 = tpu.vector_load %arg6[%swap3A_43] {strides = array<i32>} : memref<128xi32, #tpu.memory_space<vmem>>, vector<16xi32>,
    %swap3A_45 = vector.shape_cast %swap3A_44 : vector<16xi32> to vector<16xi32>
    %swap3A_46 = vector.shape_cast %add3A_42 : vector<16xi32> to vector<16xi32>
    tpu.vector_store %arg6[%swap3A_43], %swap3A_46 {strides = array<i32>} : memref<128xi32, #tpu.memory_space<vmem>>, vector<16xi32>,
    %add3A_47 = arith.constant 48 : i32
    %add3A_48 = arith.addi %mul3A_2, %add3A_47 : i32
    %broadcast_in_dim3A_49 = vector.broadcast %add3A_48 : i32 to vector<16xi32>
    %iota3A_50 = tpu.iota {dimensions = array<i32: 0>} : vector<16xi32>
    %add3A_51 = arith.addi %broadcast_in_dim3A_49, %iota3A_50 : vector<16xi32>
    %mul3A_52 = arith.constant 8 : i32
    %mul3A_53 = vector.broadcast %mul3A_52 : i32 to vector<16xi32>
    %mul3A_54 = arith.muli %add3A_51, %mul3A_53 : vector<16xi32>
    %get3A_55 = arith.constant 48 : index
    %get3A_56 = tpu.vector_load %arg5[%get3A_55] {strides = array<i32>} : memref<128xi32, #tpu.memory_space<vmem>>, vector<16xi32>,
    %get3A_57 = vector.shape_cast %get3A_56 : vector<16xi32> to vector<16xi32>
    %add3A_58 = arith.addi %mul3A_54, %get3A_57 : vector<16xi32>
    %swap3A_59 = arith.constant 48 : index
    %swap3A_60 = tpu.vector_load %arg6[%swap3A_59] {strides = array<i32>} : memref<128xi32, #tpu.memory_space<vmem>>, vector<16xi32>,
    %swap3A_61 = vector.shape_cast %swap3A_60 : vector<16xi32> to vector<16xi32>
    %swap3A_62 = vector.shape_cast %add3A_58 : vector<16xi32> to vector<16xi32>
    tpu.vector_store %arg6[%swap3A_59], %swap3A_62 {strides = array<i32>} : memref<128xi32, #tpu.memory_space<vmem>>, vector<16xi32>,
    %add3A_63 = arith.constant 64 : i32
    %add3A_64 = arith.addi %mul3A_2, %add3A_63 : i32
    %broadcast_in_dim3A_65 = vector.broadcast %add3A_64 : i32 to vector<16xi32>
    %iota3A_66 = tpu.iota {dimensions = array<i32: 0>} : vector<16xi32>
    %add3A_67 = arith.addi %broadcast_in_dim3A_65, %iota3A_66 : vector<16xi32>
    %mul3A_68 = arith.constant 8 : i32
    %mul3A_69 = vector.broadcast %mul3A_68 : i32 to vector<16xi32>
    %mul3A_70 = arith.muli %add3A_67, %mul3A_69 : vector<16xi32>
    %get3A_71 = arith.constant 64 : index
    %get3A_72 = tpu.vector_load %arg5[%get3A_71] {strides = array<i32>} : memref<128xi32, #tpu.memory_space<vmem>>, vector<16xi32>,
    %get3A_73 = vector.shape_cast %get3A_72 : vector<16xi32> to vector<16xi32>
    %add3A_74 = arith.addi %mul3A_70, %get3A_73 : vector<16xi32>
    %swap3A_75 = arith.constant 64 : index
    %swap3A_76 = tpu.vector_load %arg6[%swap3A_75] {strides = array<i32>} : memref<128xi32, #tpu.memory_space<vmem>>, vector<16xi32>,
    %swap3A_77 = vector.shape_cast %swap3A_76 : vector<16xi32> to vector<16xi32>
    %swap3A_78 = vector.shape_cast %add3A_74 : vector<16xi32> to vector<16xi32>
    tpu.vector_store %arg6[%swap3A_75], %swap3A_78 {strides = array<i32>} : memref<128xi32, #tpu.memory_space<vmem>>, vector<16xi32>,
    %add3A_79 = arith.constant 80 : i32
    %add3A_80 = arith.addi %mul3A_2, %add3A_79 : i32
    %broadcast_in_dim3A_81 = vector.broadcast %add3A_80 : i32 to vector<16xi32>
    %iota3A_82 = tpu.iota {dimensions = array<i32: 0>} : vector<16xi32>
    %add3A_83 = arith.addi %broadcast_in_dim3A_81, %iota3A_82 : vector<16xi32>
    %mul3A_84 = arith.constant 8 : i32
    %mul3A_85 = vector.broadcast %mul3A_84 : i32 to vector<16xi32>
    %mul3A_86 = arith.muli %add3A_83, %mul3A_85 : vector<16xi32>
    %get3A_87 = arith.constant 80 : index
    %get3A_88 = tpu.vector_load %arg5[%get3A_87] {strides = array<i32>} : memref<128xi32, #tpu.memory_space<vmem>>, vector<16xi32>,
    %get3A_89 = vector.shape_cast %get3A_88 : vector<16xi32> to vector<16xi32>
    %add3A_90 = arith.addi %mul3A_86, %get3A_89 : vector<16xi32>
    %swap3A_91 = arith.constant 80 : index
    %swap3A_92 = tpu.vector_load %arg6[%swap3A_91] {strides = array<i32>} : memref<128xi32, #tpu.memory_space<vmem>>, vector<16xi32>,
    %swap3A_93 = vector.shape_cast %swap3A_92 : vector<16xi32> to vector<16xi32>
    %swap3A_94 = vector.shape_cast %add3A_90 : vector<16xi32> to vector<16xi32>
    tpu.vector_store %arg6[%swap3A_91], %swap3A_94 {strides = array<i32>} : memref<128xi32, #tpu.memory_space<vmem>>, vector<16xi32>,
    %add3A_95 = arith.constant 96 : i32
    %add3A_96 = arith.addi %mul3A_2, %add3A_95 : i32
    %broadcast_in_dim3A_97 = vector.broadcast %add3A_96 : i32 to vector<16xi32>
    %iota3A_98 = tpu.iota {dimensions = array<i32: 0>} : vector<16xi32>
    %add3A_99 = arith.addi %broadcast_in_dim3A_97, %iota3A_98 : vector<16xi32>
    %mul3A_100 = arith.constant 8 : i32
    %mul3A_101 = vector.broadcast %mul3A_100 : i32 to vector<16xi32>
    %mul3A_102 = arith.muli %add3A_99, %mul3A_101 : vector<16xi32>
    %get3A_103 = arith.constant 96 : index
    %get3A_104 = tpu.vector_load %arg5[%get3A_103] {strides = array<i32>} : memref<128xi32, #tpu.memory_space<vmem>>, vector<16xi32>,
    %get3A_105 = vector.shape_cast %get3A_104 : vector<16xi32> to vector<16xi32>
    %add3A_106 = arith.addi %mul3A_102, %get3A_105 : vector<16xi32>
    %swap3A_107 = arith.constant 96 : index
    %swap3A_108 = tpu.vector_load %arg6[%swap3A_107] {strides = array<i32>} : memref<128xi32, #tpu.memory_space<vmem>>, vector<16xi32>,
    %swap3A_109 = vector.shape_cast %swap3A_108 : vector<16xi32> to vector<16xi32>
    %swap3A_110 = vector.shape_cast %add3A_106 : vector<16xi32> to vector<16xi32>
    tpu.vector_store %arg6[%swap3A_107], %swap3A_110 {strides = array<i32>} : memref<128xi32, #tpu.memory_space<vmem>>, vector<16xi32>,
    %add3A_111 = arith.constant 112 : i32
    %add3A_112 = arith.addi %mul3A_2, %add3A_111 : i32
    %broadcast_in_dim3A_113 = vector.broadcast %add3A_112 : i32 to vector<16xi32>
    %iota3A_114 = tpu.iota {dimensions = array<i32: 0>} : vector<16xi32>
    %add3A_115 = arith.addi %broadcast_in_dim3A_113, %iota3A_114 : vector<16xi32>
    %mul3A_116 = arith.constant 8 : i32
    %mul3A_117 = vector.broadcast %mul3A_116 : i32 to vector<16xi32>
    %mul3A_118 = arith.muli %add3A_115, %mul3A_117 : vector<16xi32>
    %get3A_119 = arith.constant 112 : index
    %get3A_120 = tpu.vector_load %arg5[%get3A_119] {strides = array<i32>} : memref<128xi32, #tpu.memory_space<vmem>>, vector<16xi32>,
    %get3A_121 = vector.shape_cast %get3A_120 : vector<16xi32> to vector<16xi32>
    %add3A_122 = arith.addi %mul3A_118, %get3A_121 : vector<16xi32>
    %swap3A_123 = arith.constant 112 : index
    %swap3A_124 = tpu.vector_load %arg6[%swap3A_123] {strides = array<i32>} : memref<128xi32, #tpu.memory_space<vmem>>, vector<16xi32>,
    %swap3A_125 = vector.shape_cast %swap3A_124 : vector<16xi32> to vector<16xi32>
    %swap3A_126 = vector.shape_cast %add3A_122 : vector<16xi32> to vector<16xi32>
    tpu.vector_store %arg6[%swap3A_123], %swap3A_126 {strides = array<i32>} : memref<128xi32, #tpu.memory_space<vmem>>, vector<16xi32>,
    %dma_start3A = arith.constant 0 : i32
    %dma_start3A_127 = arith.constant 0 : i32
    %dma_start3A_128 = tpu.memref_slice %arg2[%dma_start3A, %dma_start3A_127] : memref<32768x128xf32, #tpu.memory_space<hbm>> -> memref<32768x128xf32, #tpu.memory_space<hbm>>
    tpu.enqueue_indirect_dma source(%dma_start3A_128 : memref<32768x128xf32, #tpu.memory_space<hbm>>) target(%arg7 : memref<128x128xf32, #tpu.memory_space<vmem>>) offsets(%arg6 : memref<128xi32, #tpu.memory_space<vmem>>) semaphore(%arg8 : memref<!tpu.dma_semaphore, #tpu.memory_space<semaphore_mem>>)
    %dma_wait3A = arith.constant 0 : i32
    %dma_wait3A_129 = arith.constant 0 : i32
    %dma_wait3A_130 = tpu.memref_slice %arg2[%dma_wait3A, %dma_wait3A_129] : memref<32768x128xf32, #tpu.memory_space<hbm>> -> memref<32768x128xf32, #tpu.memory_space<hbm>>
    tpu.wait_indirect_dma semaphore(%arg8 : memref<!tpu.dma_semaphore, #tpu.memory_space<semaphore_mem>>) src(%dma_wait3A_130 : memref<32768x128xf32, #tpu.memory_space<hbm>>) dst(%arg7 : memref<128x128xf32, #tpu.memory_space<vmem>>)
    "tpu.region"() ({
      %run_scoped3A = tpu.sem_alloc : memref<!tpu.dma_semaphore, #tpu.memory_space<semaphore_mem>>
      %dma_start3A_131 = arith.constant 0 : i32
      %dma_start3A_132 = tpu.memref_slice %arg4[%mul3A_2, %dma_start3A_131] : memref<4096x128xf32, #tpu.memory_space<hbm>> -> memref<128x128xf32, #tpu.memory_space<hbm>>
      %dma_start3A_133 = arith.constant 0 : i32
      %dma_start3A_134 = tpu.memref_slice %arg4[%mul3A_2, %dma_start3A_133] : memref<4096x128xf32, #tpu.memory_space<hbm>> -> memref<128x128xf32, #tpu.memory_space<hbm>>
      tpu.enqueue_dma source(%arg7 : memref<128x128xf32, #tpu.memory_space<vmem>>) target(%dma_start3A_134 : memref<128x128xf32, #tpu.memory_space<hbm>>) target_semaphore(%run_scoped3A : memref<!tpu.dma_semaphore, #tpu.memory_space<semaphore_mem>>)
      %dma_wait3A_135 = arith.constant 0 : i32
      %dma_wait3A_136 = tpu.memref_slice %arg4[%mul3A_2, %dma_wait3A_135] : memref<4096x128xf32, #tpu.memory_space<hbm>> -> memref<128x128xf32, #tpu.memory_space<hbm>>
      %dma_wait3A_137 = arith.constant 0 : i32
      %dma_wait3A_138 = tpu.memref_slice %arg4[%mul3A_2, %dma_wait3A_137] : memref<4096x128xf32, #tpu.memory_space<hbm>> -> memref<128x128xf32, #tpu.memory_space<hbm>>
      tpu.wait_dma2 semaphore(%run_scoped3A : memref<!tpu.dma_semaphore, #tpu.memory_space<semaphore_mem>>) src(%arg7 : memref<128x128xf32, #tpu.memory_space<vmem>>) dst(%dma_wait3A_138 : memref<128x128xf32, #tpu.memory_space<hbm>>)
      tpu.yield
    }) : () -> ()
    return
  }
}

module attributes {stable_mosaic.version = 14 : i64} {
  func.func @_heads_kernel(%arg0: i32, %arg1: memref<1024x776xf32, #tpu.memory_space<vmem>>, %arg2: memref<8x768x64xf32, #tpu.memory_space<vmem>>, %arg3: memref<1x512xf32, #tpu.memory_space<vmem>>, %arg4: memref<1024x8x128xf32, #tpu.memory_space<vmem>>, %arg5: memref<1x1x1024xi32, #tpu.memory_space<vmem>>, %arg6: memref<768x512xf32, #tpu.memory_space<vmem>>) attributes {dimension_semantics = [#tpu.dimension_semantics<arbitrary>], iteration_bounds = array<i64: 4>, scalar_prefetch = 0 : i64, scratch_operands = 1 : i64, tpu.core_type = #tpu.core_type<tc>, window_params = [{transform_indices = @transform_0, window_bounds = array<i64: 1024, 776>}, {pipeline_mode = #tpu.pipeline_mode<synchronous>, transform_indices = @transform_1, window_bounds = array<i64: 8, 768, 64>}, {pipeline_mode = #tpu.pipeline_mode<synchronous>, transform_indices = @transform_2, window_bounds = array<i64: 1, 512>}, {transform_indices = @transform_3, window_bounds = array<i64: 1024, 8, 128>}, {transform_indices = @transform_4, window_bounds = array<i64: 1, 1, 1024>}]} {
    %eq3A = arith.constant 0 : i32
    %eq3A_0 = arith.cmpi eq, %arg0, %eq3A : i32
    %convert_element_type3A = arith.extui %eq3A_0 : i1 to i32
    %cond3A = arith.constant 0 : i32
    %cond3A_1 = arith.cmpi ne, %convert_element_type3A, %cond3A : i32
    scf.if %cond3A_1 {
      %get3A_23 = arith.constant 0 : index
      %get3A_24 = arith.constant 0 : index
      %get3A_25 = arith.constant 0 : index
      %get3A_26 = vector.load %arg2[%get3A_23, %get3A_24, %get3A_25] : memref<8x768x64xf32, #tpu.memory_space<vmem>>, vector<1x768x64xf32>
      %get3A_27 = vector.shape_cast %get3A_26 : vector<1x768x64xf32> to vector<768x64xf32>
      %swap3A_28 = arith.constant 0 : index
      %swap3A_29 = arith.constant 0 : index
      %swap3A_30 = vector.load %arg6[%swap3A_28, %swap3A_29] : memref<768x512xf32, #tpu.memory_space<vmem>>, vector<768x64xf32>
      tpu.vector_store %arg6[%swap3A_28, %swap3A_29], %get3A_27 {strides = array<i32>} : memref<768x512xf32, #tpu.memory_space<vmem>>, vector<768x64xf32>,
      %get3A_31 = arith.constant 1 : index
      %get3A_32 = arith.constant 0 : index
      %get3A_33 = arith.constant 0 : index
      %get3A_34 = vector.load %arg2[%get3A_31, %get3A_32, %get3A_33] : memref<8x768x64xf32, #tpu.memory_space<vmem>>, vector<1x768x64xf32>
      %get3A_35 = vector.shape_cast %get3A_34 : vector<1x768x64xf32> to vector<768x64xf32>
      %swap3A_36 = arith.constant 0 : index
      %swap3A_37 = arith.constant 64 : index
      %swap3A_38 = vector.load %arg6[%swap3A_36, %swap3A_37] : memref<768x512xf32, #tpu.memory_space<vmem>>, vector<768x64xf32>
      tpu.vector_store %arg6[%swap3A_36, %swap3A_37], %get3A_35 {strides = array<i32>} : memref<768x512xf32, #tpu.memory_space<vmem>>, vector<768x64xf32>,
      %get3A_39 = arith.constant 2 : index
      %get3A_40 = arith.constant 0 : index
      %get3A_41 = arith.constant 0 : index
      %get3A_42 = vector.load %arg2[%get3A_39, %get3A_40, %get3A_41] : memref<8x768x64xf32, #tpu.memory_space<vmem>>, vector<1x768x64xf32>
      %get3A_43 = vector.shape_cast %get3A_42 : vector<1x768x64xf32> to vector<768x64xf32>
      %swap3A_44 = arith.constant 0 : index
      %swap3A_45 = arith.constant 128 : index
      %swap3A_46 = vector.load %arg6[%swap3A_44, %swap3A_45] : memref<768x512xf32, #tpu.memory_space<vmem>>, vector<768x64xf32>
      tpu.vector_store %arg6[%swap3A_44, %swap3A_45], %get3A_43 {strides = array<i32>} : memref<768x512xf32, #tpu.memory_space<vmem>>, vector<768x64xf32>,
      %get3A_47 = arith.constant 3 : index
      %get3A_48 = arith.constant 0 : index
      %get3A_49 = arith.constant 0 : index
      %get3A_50 = vector.load %arg2[%get3A_47, %get3A_48, %get3A_49] : memref<8x768x64xf32, #tpu.memory_space<vmem>>, vector<1x768x64xf32>
      %get3A_51 = vector.shape_cast %get3A_50 : vector<1x768x64xf32> to vector<768x64xf32>
      %swap3A_52 = arith.constant 0 : index
      %swap3A_53 = arith.constant 192 : index
      %swap3A_54 = vector.load %arg6[%swap3A_52, %swap3A_53] : memref<768x512xf32, #tpu.memory_space<vmem>>, vector<768x64xf32>
      tpu.vector_store %arg6[%swap3A_52, %swap3A_53], %get3A_51 {strides = array<i32>} : memref<768x512xf32, #tpu.memory_space<vmem>>, vector<768x64xf32>,
      %get3A_55 = arith.constant 4 : index
      %get3A_56 = arith.constant 0 : index
      %get3A_57 = arith.constant 0 : index
      %get3A_58 = vector.load %arg2[%get3A_55, %get3A_56, %get3A_57] : memref<8x768x64xf32, #tpu.memory_space<vmem>>, vector<1x768x64xf32>
      %get3A_59 = vector.shape_cast %get3A_58 : vector<1x768x64xf32> to vector<768x64xf32>
      %swap3A_60 = arith.constant 0 : index
      %swap3A_61 = arith.constant 256 : index
      %swap3A_62 = vector.load %arg6[%swap3A_60, %swap3A_61] : memref<768x512xf32, #tpu.memory_space<vmem>>, vector<768x64xf32>
      tpu.vector_store %arg6[%swap3A_60, %swap3A_61], %get3A_59 {strides = array<i32>} : memref<768x512xf32, #tpu.memory_space<vmem>>, vector<768x64xf32>,
      %get3A_63 = arith.constant 5 : index
      %get3A_64 = arith.constant 0 : index
      %get3A_65 = arith.constant 0 : index
      %get3A_66 = vector.load %arg2[%get3A_63, %get3A_64, %get3A_65] : memref<8x768x64xf32, #tpu.memory_space<vmem>>, vector<1x768x64xf32>
      %get3A_67 = vector.shape_cast %get3A_66 : vector<1x768x64xf32> to vector<768x64xf32>
      %swap3A_68 = arith.constant 0 : index
      %swap3A_69 = arith.constant 320 : index
      %swap3A_70 = vector.load %arg6[%swap3A_68, %swap3A_69] : memref<768x512xf32, #tpu.memory_space<vmem>>, vector<768x64xf32>
      tpu.vector_store %arg6[%swap3A_68, %swap3A_69], %get3A_67 {strides = array<i32>} : memref<768x512xf32, #tpu.memory_space<vmem>>, vector<768x64xf32>,
      %get3A_71 = arith.constant 6 : index
      %get3A_72 = arith.constant 0 : index
      %get3A_73 = arith.constant 0 : index
      %get3A_74 = vector.load %arg2[%get3A_71, %get3A_72, %get3A_73] : memref<8x768x64xf32, #tpu.memory_space<vmem>>, vector<1x768x64xf32>
      %get3A_75 = vector.shape_cast %get3A_74 : vector<1x768x64xf32> to vector<768x64xf32>
      %swap3A_76 = arith.constant 0 : index
      %swap3A_77 = arith.constant 384 : index
      %swap3A_78 = vector.load %arg6[%swap3A_76, %swap3A_77] : memref<768x512xf32, #tpu.memory_space<vmem>>, vector<768x64xf32>
      tpu.vector_store %arg6[%swap3A_76, %swap3A_77], %get3A_75 {strides = array<i32>} : memref<768x512xf32, #tpu.memory_space<vmem>>, vector<768x64xf32>,
      %get3A_79 = arith.constant 7 : index
      %get3A_80 = arith.constant 0 : index
      %get3A_81 = arith.constant 0 : index
      %get3A_82 = vector.load %arg2[%get3A_79, %get3A_80, %get3A_81] : memref<8x768x64xf32, #tpu.memory_space<vmem>>, vector<1x768x64xf32>
      %get3A_83 = vector.shape_cast %get3A_82 : vector<1x768x64xf32> to vector<768x64xf32>
      %swap3A_84 = arith.constant 0 : index
      %swap3A_85 = arith.constant 448 : index
      %swap3A_86 = vector.load %arg6[%swap3A_84, %swap3A_85] : memref<768x512xf32, #tpu.memory_space<vmem>>, vector<768x64xf32>
      tpu.vector_store %arg6[%swap3A_84, %swap3A_85], %get3A_83 {strides = array<i32>} : memref<768x512xf32, #tpu.memory_space<vmem>>, vector<768x64xf32>,
    } else {
    }
    %get3A = arith.constant 0 : index
    %get3A_2 = arith.constant 0 : index
    %get3A_3 = vector.load %arg1[%get3A, %get3A_2] : memref<1024x776xf32, #tpu.memory_space<vmem>>, vector<1024x776xf32>
    %slice3A = vector.extract_strided_slice %get3A_3 {offsets = [0, 0], sizes = [1024, 768], strides = [1, 1]} : vector<1024x776xf32> to vector<1024x768xf32>
    %slice3A_4 = vector.extract_strided_slice %get3A_3 {offsets = [0, 768], sizes = [1024, 8], strides = [1, 1]} : vector<1024x776xf32> to vector<1024x8xf32>
    %argmax3A = tpu.reduce_index %slice3A_4 {axis = 1 : i32, kind = #tpu.reduction_kind<arg_max>} : vector<1024x8xf32> -> vector<1024xi32>
    %tanh3A = math.tanh %slice3A : vector<1024x768xf32>
    %get3A_5 = arith.constant 0 : index
    %get3A_6 = arith.constant 0 : index
    %get3A_7 = vector.load %arg6[%get3A_5, %get3A_6] : memref<768x512xf32, #tpu.memory_space<vmem>>, vector<768x512xf32>
    %dot_general3A = arith.constant dense<0.000000e+00> : vector<1024x512xf32>
    %dot_general3A_8 = tpu.matmul %tanh3A, %get3A_7, %dot_general3A {dimension_numbers = #tpu.dot_dimension_numbers<[1], [0], [0], [1], [0, 0, 1, 1], [], []>, transpose_lhs_hint = false} : vector<1024x768xf32>, vector<768x512xf32>, vector<1024x512xf32> -> vector<1024x512xf32>
    %get3A_9 = arith.constant 0 : index
    %get3A_10 = arith.constant 0 : index
    %get3A_11 = vector.load %arg3[%get3A_9, %get3A_10] : memref<1x512xf32, #tpu.memory_space<vmem>>, vector<1x512xf32>
    %add3A = vector.broadcast %get3A_11 : vector<1x512xf32> to vector<1024x512xf32>
    %add3A_12 = arith.addf %dot_general3A_8, %add3A : vector<1024x512xf32>
    %reshape3A = vector.shape_cast %add3A_12 : vector<1024x512xf32> to vector<1024x8x64xf32>
    %swap3A = arith.constant 0 : index
    %swap3A_13 = arith.constant 0 : index
    %swap3A_14 = arith.constant 0 : index
    %swap3A_15 = vector.load %arg4[%swap3A, %swap3A_13, %swap3A_14] : memref<1024x8x128xf32, #tpu.memory_space<vmem>>, vector<1024x8x64xf32>
    tpu.vector_store %arg4[%swap3A, %swap3A_13, %swap3A_14], %reshape3A {strides = array<i32>} : memref<1024x8x128xf32, #tpu.memory_space<vmem>>, vector<1024x8x64xf32>,
    %reshape3A_16 = vector.shape_cast %argmax3A : vector<1024xi32> to vector<1x1x1024xi32>
    %squeeze3A = vector.shape_cast %reshape3A_16 : vector<1x1x1024xi32> to vector<1024xi32>
    %swap3A_17 = arith.constant 0 : index
    %swap3A_18 = arith.constant 0 : index
    %swap3A_19 = arith.constant 0 : index
    %swap3A_20 = vector.load %arg5[%swap3A_17, %swap3A_18, %swap3A_19] : memref<1x1x1024xi32, #tpu.memory_space<vmem>>, vector<1x1x1024xi32>
    %swap3A_21 = vector.shape_cast %swap3A_20 : vector<1x1x1024xi32> to vector<1024xi32>
    %swap3A_22 = vector.shape_cast %squeeze3A : vector<1024xi32> to vector<1x1x1024xi32>
    tpu.vector_store %arg5[%swap3A_17, %swap3A_18, %swap3A_19], %swap3A_22 {strides = array<i32>} : memref<1x1x1024xi32, #tpu.memory_space<vmem>>, vector<1x1x1024xi32>,
    return
  }
  func.func @transform_0(%arg0: i32) -> (i32, i32) {
    %c0_i32 = arith.constant 0 : i32
    %c0_i32_0 = arith.constant 0 : i32
    return %arg0, %c0_i32 : i32, i32
  }
  func.func @transform_1(%arg0: i32) -> (i32, i32, i32) {
    %c0_i32 = arith.constant 0 : i32
    %c0_i32_0 = arith.constant 0 : i32
    %c0_i32_1 = arith.constant 0 : i32
    %c0_i32_2 = arith.constant 0 : i32
    return %c0_i32, %c0_i32_0, %c0_i32_1 : i32, i32, i32
  }
  func.func @transform_2(%arg0: i32) -> (i32, i32) {
    %c0_i32 = arith.constant 0 : i32
    %c0_i32_0 = arith.constant 0 : i32
    %c0_i32_1 = arith.constant 0 : i32
    return %c0_i32, %c0_i32_0 : i32, i32
  }
  func.func @transform_3(%arg0: i32) -> (i32, i32, i32) {
    %c0_i32 = arith.constant 0 : i32
    %c0_i32_0 = arith.constant 0 : i32
    %c0_i32_1 = arith.constant 0 : i32
    return %arg0, %c0_i32, %c0_i32_0 : i32, i32, i32
  }
  func.func @transform_4(%arg0: i32) -> (i32, i32, i32) {
    %c0_i32 = arith.constant 0 : i32
    %c0_i32_0 = arith.constant 0 : i32
    %c0_i32_1 = arith.constant 0 : i32
    return %arg0, %c0_i32, %c0_i32_0 : i32, i32, i32
  }
}

</mosaic_0001>

<sc_bundles>
// kernel: kernel.4.cloned.1.call-start
scs
__scs_entry_jumppad:
0x0: {  	(pc) =	sbr.rel $0x88, $3  }
0x1: {  	(tag) =	ssettag $0x0;
	lr =	simm.s32 $0x1  }
0x2: {  	[smem:$0x3F9E] =	sst lr;
	_ =	strace $0xD0000000  }
0x3: {  	_ = 	snop  }
0x4: {  	_ = 	snop  }
0x5: {  	_ = 	snop  }
0x6: {  	_ = 	snop  }
0x7: {  	_ = 	snop  }
__scs_overlays_trampoline_lowered:
0x8: {  	[smem:$0x3FAD] =	sst s0  }
0x9: {  	[smem:$0x3FAE] =	sst s1  }
0xa: {  	[smem:$0x3FAF] =	sst s2  }
0xb: {  	[smem:$0x3FB0] =	sst s3  }
0xc: {  	[smem:$0x3FB1] =	sst s4  }
0xd: {  	[smem:$0x3FB2] =	sst s5  }
0xe: {  	[smem:$0x3FB3] =	sst s6  }
0xf: {  	[smem:$0x3FB4] =	sst s7  }
0x10: {  	[smem:$0x3FB5] =	sst s8  }
0x11: {  	[smem:$0x3FB6] =	sst s9;
	s0 =	simm.s32 @!p0 $0x0  }
0x12: {  	s1 =	sld [smem:$0x3F9C];
	s0 =	simm.s32 @p0 $0x1  }
0x13: {  	[smem:$0x3FB7] =	sst s0;
	s0 =	simm.s32 @!p1 $0x0  }
0x14: {  	s2 =	sld [smem:$0x3F9B];
	s0 =	simm.s32 @p1 $0x1  }
0x15: {  	[smem:$0x3FB8] =	sst s0;
	s0 =	simm.s32 @!p2 $0x0  }
0x16: {  	s3 =	sld [smem:$0x3FDB];
	s0 =	simm.s32 @p2 $0x1  }
0x17: {  	s4 =	simm.s32 $0x1BF5;
	[smem:$0x3FBA] =	sst s0  }
0x18: {  	s0 =	sld [smem:$0x3F9D];
	_ =	swait.ge [sflag:s4], $0x0  }
0x19: {  	s7 =	sld [smem:$0x3F9E]  }
0x1a: {  	s8 =	sadd.s32 $0xFFFFE003, lr  }
0x1b: {  	s9 =	sadd.s32 $0xFFFFFEF7, lr;
	s5 =	simm.s32 $0xFFFFFFFF;
	p2 =	slt.u32 s8, $0xFFFFF086  }
0x1c: {  	p1 =	slt.u32 s9, $0xF7A;
	s5 =	simm.s32 @!p2 $0x0  }
0x1d: {  	s5 =	simm.s32 @p1 $0x1;
	p0 =	seq.s32 s7, s2  }
0x1e: {  	s7 =	smul.u32 @!p0 $0xF7A, s2;
	p2 =	seq.s32 @!p0 s5, $0x0  }
0x1f: {  	s9 =	smul.u32 $0xF7A, s1;
	s8 =	simm.s32 @!p0 $0x1BF5;
	p2 =	por !p2, p0  }
0x20: {  	[sflag:s8] =	ssyncset.s32 @!p0 $0xFFFFF086;
	s6 =	sadd.s32 @!p0 s3, s7;
	s7 =	simm.s32 @!p0 $0x108  }
0x21: {  	s3 =	sadd.s32 s3, s9;
	s6 =	sadd.s32 @!p0 $0x88, s6;
	s7 =	simm.s32 @p2 $0x1082  }
0x22: {  	[simem:s7], [sflag:s8] =	dma.local @!p0 [hbm:s6], $0xF7A  }
0x23: {  	s9 =	sor.u32 $0xD0000000, s2;
	s6 =	simm.s32 $0x108;
	_ =	swait.ge @!p0 [sflag:s8], $0x0  }
0x24: {  	s3 =	sadd.s32 $0x88, s3;
	s6 =	simm.s32 @!p1 $0x1082;
	[sflag:s4] =	ssyncset.s32 $0xFFFFF086  }
0x25: {  	[simem:s6], [sflag:s4] =	dma.local [hbm:s3], $0xF7A  }
0x26: {  	[smem:$0x3F9E] =	sst s1;
	(tag) =	ssettag s2;
	_ =	strace s9  }
0x27: {  	s1 =	sld [smem:$0x3FAE]  }
0x28: {  	s2 =	sld [smem:$0x3FAF]  }
0x29: {  	s4 =	sld [smem:$0x3FB1]  }
0x2a: {  	p0 =	seq.s32 s5, $0x0;
	s5 =	sld [smem:$0x3FB2]  }
0x2b: {  	s6 =	sld [smem:$0x3FB3]  }
0x2c: {  	s7 =	sld [smem:$0x3FB4]  }
0x2d: {  	s3 =	simm.s32 $0x108;
	s8 =	sld [smem:$0x3FB5]  }
0x2e: {  	s3 =	simm.s32 @!p0 $0x1082;
	s9 =	sld [smem:$0x3FB6]  }
0x2f: {  	lr =	sadd.s32 s0, s3;
	s0 =	sld [smem:$0x3FAD]  }
0x30: {  	s3 =	sld [smem:$0x3FB0]  }
0x31: {  	[smem:$0x3FB9] =	sst s10  }
0x32: {  	s10 =	sld [smem:$0x3FB7];
	_ =	sdelay $0x3  }
0x33: {  	p0 =	seq.s32 s10, $0x1;
	s10 =	sld [smem:$0x3FB9];
	_ =	sdelay $0x3  }
0x34: {  	[smem:$0x3FB9] =	sst s10  }
0x35: {  	s10 =	sld [smem:$0x3FB8];
	_ =	sdelay $0x3  }
0x36: {  	p1 =	seq.s32 s10, $0x1;
	s10 =	sld [smem:$0x3FB9];
	_ =	sdelay $0x3  }
0x37: {  	[smem:$0x3FB9] =	sst s10  }
0x38: {  	s10 =	sld [smem:$0x3FBA]  }
0x39: {  	_ = 	snop;
	(pc) =	sbr.ind lr, $3  }
0x3a: {  	_ = 	snop  }
0x3b: {  	_ = 	snop  }
0x3c: {  	p2 =	seq.s32 s10, $0x1;
	s10 =	sld [smem:$0x3FB9]  }
0x3d: {  	_ =	shalt  }
0x3e: {  	_ =	shalt  }
0x3f: {  	_ =	shalt  }
0x40: {  	_ =	shalt  }
0x41: {  	_ =	shalt  }
0x42: {  	_ =	shalt  }
0x43: {  	_ =	shalt  }
0x44: {  	_ =	shalt  }
0x45: {  	_ =	shalt  }
0x46: {  	_ =	shalt  }
0x47: {  	_ =	shalt  }
0x48: {  	_ =	shalt  }
0x49: {  	_ =	shalt  }
0x4a: {  	_ =	shalt  }
0x4b: {  	_ =	shalt  }
0x4c: {  	_ =	shalt  }
0x4d: {  	_ =	shalt  }
0x4e: {  	_ =	shalt  }
0x4f: {  	_ =	shalt  }
0x50: {  	_ =	shalt  }
0x51: {  	_ =	shalt  }
0x52: {  	_ =	shalt  }
0x53: {  	_ =	shalt  }
0x54: {  	_ =	shalt  }
0x55: {  	_ =	shalt  }
0x56: {  	_ =	shalt  }
0x57: {  	_ =	shalt  }
0x58: {  	_ =	shalt  }
0x59: {  	_ =	shalt  }
0x5a: {  	_ =	shalt  }
0x5b: {  	_ =	shalt  }
0x5c: {  	_ =	shalt  }
0x5d: {  	_ =	shalt  }
0x5e: {  	_ =	shalt  }
0x5f: {  	_ =	shalt  }
0x60: {  	_ =	shalt  }
0x61: {  	_ =	shalt  }
0x62: {  	_ =	shalt  }
0x63: {  	_ =	shalt  }
0x64: {  	_ =	shalt  }
0x65: {  	_ =	shalt  }
0x66: {  	_ =	shalt  }
0x67: {  	_ =	shalt  }
0x68: {  	_ =	shalt  }
0x69: {  	_ =	shalt  }
0x6a: {  	_ =	shalt  }
0x6b: {  	_ =	shalt  }
0x6c: {  	_ =	shalt  }
0x6d: {  	_ =	shalt  }
0x6e: {  	_ =	shalt  }
0x6f: {  	_ =	shalt  }
0x70: {  	_ =	shalt  }
0x71: {  	_ =	shalt  }
0x72: {  	_ =	shalt  }
0x73: {  	_ =	shalt  }
0x74: {  	_ =	shalt  }
0x75: {  	_ =	shalt  }
0x76: {  	_ =	shalt  }
0x77: {  	_ =	shalt  }
0x78: {  	_ =	shalt  }
0x79: {  	_ =	shalt  }
0x7a: {  	_ =	shalt  }
0x7b: {  	_ =	shalt  }
0x7c: {  	_ =	shalt  }
0x7d: {  	_ =	shalt  }
0x7e: {  	_ =	shalt  }
0x7f: {  	_ =	shalt  }
0x80: {  	_ =	shalt  }
0x81: {  	_ =	shalt  }
0x82: {  	_ =	shalt  }
0x83: {  	_ =	shalt  }
0x84: {  	_ =	shalt  }
0x85: {  	_ =	shalt  }
0x86: {  	_ =	shalt  }
0x87: {  	_ =	shalt  }
.Lfunc_end0:
.L_simem_size_0:
called_computation_lowered:
.L_overlay_start_0:
0x88: {  	s2 =	sld [smem:$0x3FD9]  }
0x89: {  	s3 =	sld [smem:$0x3FFE];
	_ =	sdelay $0x1  }
0x8a: {  	s1 =	srdreg.scid  }
0x8b: {  	s0 =	sand.u32 $0x1, s1  }
0x8c: {  	s17 =	sshll.u32 s0, $0xA;
	s2 =	sadd.s32 s3, s2  }
0x8d: {  	s2 =	sadd.s32 s2, s17  }
0x8e: {  	[smem:$0x3FC5] =	sst s2  }
0x8f: {  	_ = 	snop  }
0x90: {  	s2 =	sld [smem:$0x3FD0];
	(tm) =	ssettm $0x1  }
0x91: {  	s18 =	sld [smem:$0x3FFB];
	_ =	sdelay $0x3  }
0x92: {  	_ =	strace s18  }
0x93: {  	s3 =	sld [smem:$0x3FFC];
	_ =	sdelay $0x3  }
0x94: {  	_ =	strace s3  }
0x95: {  	s3 =	sld [smem:$0x3FFD];
	_ =	sdelay $0x3  }
0x96: {  	_ =	strace s3  }
0x97: {  	_ =	strace $0x8FFFFFFF  }
0x98: {  	s19 =	sld [smem:$0x3FDB];
	_ =	sdelay $0x1  }
0x99: {  	s4 =	simm.s32 $_scs_section_size  }
0x9a: {  	s5 =	simm.s32 $_size__tile_overlayer_lowered;
	s6 =	simm.s32 $_tile_overlayer_lowered  }
0x9b: {  	s22 =	simm.s32 $0x1BFF;
	s21 =	sshll.u32 s6, $0x1;
	s3 =	sadd.s32 s4, s19  }
0x9c: {  	s7 =	simm.s32 $0x0;
	s20 =	sshll.u32 s5, $0x1;
	s5 =	sadd.s32 s21, s3  }
0x9d: {  	[timem:s7], [sflag:s22] =	dma.local [hbm:s5], s20  }
0x9e: {  	_ =	swait.ge [sflag:s22], s20  }
0x9f: {  	s4 =	ssub.s32 $0x0, s20;
	[sflag:s22] =	ssyncset.done $0x0  }
0xa0: {  	[sflag:s22] =	ssyncadd.s32 s4;
	_ =	sdelay $0x1  }
0xa1: {  	s23 =	simm.s32 $0x1B8B  }
0xa2: {  	_ =	swait.ge [sflag:s23], $0x1  }
0xa3: {  	[sflag:s23] =	ssyncset.done $0x0  }
0xa4: {  	s25 =	simm.s32 $0x1B8E;
	s24 =	sld [smem:$0x3FFE];
	[sflag:s23] =	ssyncadd.s32 $0xFFFFFFFF  }
0xa5: {  	s26 =	simm.s32 $execute0_lowered;
	[smem:$0x3FD2] =	sst s25  }
0xa6: {  	s5 =	sshll.u32 s26, $0x1;
	_ =	strace $0x80000046;
	[dreg:$0x1] =	wrdreg $0xFFFFFFFF  }
0xa7: {  	s28 =	simm.s32 $_size_execute0_lowered;
	s3 =	sadd.s32 s3, s5;
	[dreg:$0x0] =	wrdreg $0x0  }
0xa8: {  	s5 =	sshll.u32 s28, $0x1;
	[dreg:$0x2] =	wrdreg s3  }
0xa9: {  	[dreg:$0x3] =	wrdreg s5  }
0xaa: {  	[dreg:$0x4] =	wrdreg $0xC0  }
0xab: {  	_ =	task [dreg:s7], $0x5FFFF  }
0xac: {  	[dreg:$0x1] =	wrdreg $0xFFFFFFFF  }
0xad: {  	[dreg:$0x0] =	wrdreg $0x60  }
0xae: {  	[dreg:$0x2] =	wrdreg s24  }
0xaf: {  	[dreg:$0x3] =	wrdreg s2  }
0xb0: {  	[dreg:$0x4] =	wrdreg $0x9  }
0xb1: {  	_ =	task.clear_ibuf [dreg:s7], $0x5FFFF;
	_ =	strace $0x90000046  }
0xb2: {  	s29 =	simm.s32 $0x9;
	_ =	strace $0x80000048  }
0xb3: {  	_ =	swait.ge [sflag:s29], $0x1  }
0xb4: {  	[sflag:s29] =	ssyncadd.s32 $0xFFFFFFFF  }
0xb5: {  	_ =	strace $0x90000048  }
0xb6: {  	_ =	sfence  }
0xb7: {  	s30 =	sld [smem:$0x0];
	_ =	sdelay $0x2  }
0xb8: {  	s31 =	sshll.u32 s1, $0xD;
	s1 =	sshrl.u32 s1, $0x2  }
0xb9: {  	s3 =	sand.u32 $0x4000, s31;
	s1 =	sadd.s32 s1, s30  }
0xba: {  	s0 =	sor.u32 s3, s0;
	s1 =	sshll.u32 s1, $0x11  }
0xbb: {  	s0 =	sor.u32 s1, s0  }
0xbc: {  	s0 =	sadd.s32 $0x8F2B, s0  }
0xbd: {  	[sflag:s0] =	ssyncadd.remote.s32 $0x1  }
0xbe: {  	_ =	sfence.sel $0xFFFF  }
0xbf: {  	[dreg:$0x0] =	wrdreg $0xFFFFFFFF;
	(pc) =	sbr.abs _section_cstart, $3  }
0xc0: {  	[dreg:$0x1] =	wrdreg $0xFFFFFFFF  }
0xc1: {  	_ =	task.clear_ibuf [dreg:s7], $0x2FFFF;
	_ =	strace $0x9FFFFFFF  }
0xc2: {  	(tm) =	ssettm $0x7FFFFFFF  }
0xc3: {  	_ =	shalt  }
tec
execute0_lowered:
.L_overlay_start_1:
0x0: {  	(tag) =	ssettag $0x1  }
0x1: {  	s1 =	srdreg.scid  }
0x2: {  	s6 =	rddreg [dreg:$0x0];
	s0 =	stileid.u32;
	s5 =	sand.u32 $0x1, s1  }
0x3: {  	s3 =	rddreg [dreg:$0x1];
	s4 =	sshll.u32 s0, $0x8;
	s7 =	sshll.u32 s5, $0x7  }
0x4: {  	s2 =	simm.s32 $0x0;
	s1 =	rddreg [dreg:$0x2];
	s7 =	sor.u32 s7, s4  }
0x5: {  	[smem:$0x7FF] =	sst s2;
	s4 =	sshrl.u32 s7, $0x3  }
0x6: {  	_ =	strace $0x80000047;
	s4 =	sadd.s32 s3, s4;
	s3 =	simm.s32 $0x2  }
0x7: {  	[tilespmem:s2], [sflag:$0x2] =	stream.linear.gather [hbm4b:s4+s2], $0x80, $0x38;
	[tilespmem:$0x4100] =	vst v63  }
0x8: {  	_ =	swait.ge [sflag:s3], $0x80  }
0x9: {  	[sflag:s3] =	ssyncset.done $0x0  }
0xa: {  	v0 =	vlaneseq.u32;
	[sflag:s3] =	ssyncadd.s32 $0xFFFFFF80  }
0xb: {  	v7 =	vmul.u32 $0x8, v0;
	s8 =	sor.u32 $0x30, s7;
	s9 =	sor.u32 $0x10, s7;
	v2 =	vld [tilespmem:$0x70]  }
0xc: {  	v6 =	vmov s7;
	s25 =	sor.u32 $0x70, s7;
	s26 =	sor.u32 $0x20, s7;
	s28 =	sor.u32 $0x40, s7;
	v0 =	vmov s8;
	v5 =	vmov s9;
	v3 =	vld [tilespmem:$0x30]  }
0xd: {  	s29 =	sor.u32 $0x50, s7;
	s30 =	sor.u32 $0x60, s7;
	v1 =	vmov s25;
	v8 =	vmov s26;
	v10 =	vmov s28;
	v13 =	vld [tilespmem:$0x20]  }
0xe: {  	v11 =	vmov s29;
	v56 =	vmov s30;
	v1 =	vshll.u32 v1, $0x3;
	v4 =	vld [tilespmem:$0x50]  }
0xf: {  	s5 =	ssub.s32 $0x2, s5;
	v0 =	vshll.u32 v0, $0x3;
	v11 =	vshll.u32 v11, $0x3;
	v1 =	vor.u32 v7, v1;
	v9 =	vld [tilespmem:$0x40]  }
0x10: {  	s31 =	sshrl.u32 s5, $0x1;
	v8 =	vshll.u32 v8, $0x3;
	v0 =	vor.u32 v7, v0;
	v12 =	vld [tilespmem:$0x60];
	v14 =	vadd.s32 v1, v2  }
0x11: {  	s8 =	ssub.s32 s5, s31;
	v61 =	vshll.u32 v5, $0x3;
	v5 =	vor.u32 v7, v8;
	v59 =	vld [tilespmem:$0x0];
	v15 =	vadd.s32 v0, v3;
	[tilespmem:$0xF0] =	vst v14  }
0x12: {  	v10 =	vshll.u32 v10, $0x3;
	s10 =	smax.u32 s8, $0x1;
	v57 =	vld [tilespmem:$0x10];
	v2 =	vor.u32 v7, v11;
	v63 =	vadd.s32 v5, v13;
	[tilespmem:$0xB0] =	vst v15  }
0x13: {  	v58 =	vshll.u32 v56, $0x3;
	p0 =	sne.s32 s10, $0x1;
	v3 =	vor.u32 v7, v10;
	v60 =	vadd.s32 v2, v4;
	[tilespmem:$0xA0] =	vst v63  }
.Ltmp0:
0x14: {  	v62 =	vshll.u32 v6, $0x3;
	v4 =	vor.u32 v7, v58;
	v9 =	vadd.s32 v3, v9;
	[tilespmem:$0xD0] =	vst v60;
	(pc) =	sbr.rel @!p0 .LBB2_2-.Ltmp0, $4  }
0x15: {  	v6 =	vor.u32 v7, v61;
	v7 =	vor.u32 v7, v62;
	[tilespmem:$0xC0] =	vst v9;
	v8 =	vadd.s32 v4, v12  }
0x16: {  	s7 =	sshll.u32 s7, $0x4;
	s5 =	sadd.s32 $0x800, s6;
	v9 =	vadd.s32 v7, v59;
	[tilespmem:$0xE0] =	vst v8  }
0x17: {  	s6 =	sadd.s32 s7, s6;
	s7 =	simm.s32 $0x80;
	s9 =	simm.s32 $0x1;
	v8 =	vadd.s32 v6, v57;
	[tilespmem:$0x80] =	vst v9  }
0x18: {  	s6 =	sadd.s32 $0x80800, s6;
	s8 =	simm.s32 $0x100;
	s10 =	sadd.s32 $0xFFFFFFFF, s10;
	[tilespmem:$0x90] =	vst v8  }
.LBB2_1:
0x19: {  	[tilespmem:s8], [sflag:$0x1] =	stream.indirect.gather [hbm4b:s5+s7], $0x80, s7, s7, $0xb8;
	[tilespmem:$0x4100] =	vst v63  }
0x1a: {  	p0 =	sne.s32 s10, $0x1;
	s10 =	sadd.s32 $0xFFFFFFFF, s10;
	_ =	swait.ge [sflag:s9], $0x4000  }
0x1b: {  	[sflag:s9] =	ssyncset.done $0x0  }
0x1c: {  	[sflag:s9] =	ssyncadd.s32 $0xFFFFC000  }
0x1d: {  	[hbm4b:s6+s2] =	stream.linear.scatter [tilespmem:s8], [sflag:$0x2], $0x4000, $0x38;
	[tilespmem:$0x4100] =	vst v63  }
0x1e: {  	_ =	swait.ge [sflag:s3], $0x4000  }
0x1f: {  	[sflag:s3] =	ssyncset.done $0x0  }
0x20: {  	[sflag:s3] =	ssyncadd.s32 $0xFFFFC000  }
0x21: {  	[tilespmem:s2], [sflag:$0x2] =	stream.linear.gather [hbm4b:s4+s2], $0x80, $0x38;
	[tilespmem:$0x4100] =	vst v63  }
0x22: {  	_ =	swait.ge [sflag:s3], $0x80  }
0x23: {  	[sflag:s3] =	ssyncset.done $0x0  }
0x24: {  	[sflag:s3] =	ssyncadd.s32 $0xFFFFFF80  }
0x25: {  	v8 =	vld [tilespmem:$0x70]  }
0x26: {  	v9 =	vld [tilespmem:$0x30]  }
0x27: {  	v10 =	vld [tilespmem:$0x50]  }
0x28: {  	v11 =	vld [tilespmem:$0x40]  }
0x29: {  	v12 =	vld [tilespmem:$0x60]  }
0x2a: {  	v13 =	vld [tilespmem:$0x20];
	v8 =	vadd.s32 v1, v8  }
0x2b: {  	v14 =	vld [tilespmem:$0x10];
	v9 =	vadd.s32 v0, v9;
	[tilespmem:$0xF0] =	vst v8  }
0x2c: {  	v8 =	vld [tilespmem:$0x0];
	[tilespmem:$0xB0] =	vst v9;
	v9 =	vadd.s32 v2, v10  }
0x2d: {  	v10 =	vadd.s32 v3, v11;
	[tilespmem:$0xD0] =	vst v9  }
.Ltmp1:
0x2e: {  	[tilespmem:$0xC0] =	vst v10;
	v9 =	vadd.s32 v4, v12;
	(pc) =	sbr.rel @p0 .LBB2_1-.Ltmp1, $4  }
0x2f: {  	v10 =	vadd.s32 v5, v13;
	[tilespmem:$0xE0] =	vst v9  }
0x30: {  	v9 =	vadd.s32 v6, v14;
	[tilespmem:$0xA0] =	vst v10  }
0x31: {  	v8 =	vadd.s32 v7, v8;
	[tilespmem:$0x90] =	vst v9  }
0x32: {  	[tilespmem:$0x80] =	vst v8  }
.LBB2_2:
0x33: {  	[tilespmem:s8], [sflag:$0x1] =	stream.indirect.gather [hbm4b:s5+s7], $0x80, s7, s7, $0xb8;
	[tilespmem:$0x4100] =	vst v63  }
0x34: {  	_ =	swait.ge [sflag:s9], $0x4000  }
0x35: {  	[sflag:s9] =	ssyncset.done $0x0  }
0x36: {  	[sflag:s9] =	ssyncadd.s32 $0xFFFFC000  }
0x37: {  	[hbm4b:s6+s2] =	stream.linear.scatter [tilespmem:s8], [sflag:$0x2], $0x4000, $0x38;
	[tilespmem:$0x4100] =	vst v63  }
0x38: {  	_ =	swait.ge [sflag:s3], $0x4000  }
0x39: {  	[sflag:s3] =	ssyncset.done $0x0  }
0x3a: {  	[sflag:s3] =	ssyncadd.s32 $0xFFFFC000  }
0x3b: {  	_ =	sfence.sel $0x180000  }
0x3c: {  	[bflag:$0x0] =	sbarrier.arrive $0xFFFF  }
0x3d: {  	p0 =	sne.s32 s0, $0x0;
	_ =	strace $0x90000047  }
0x3e: {  	s0 =	sadd.s32 @!p0 $0x100000, s1;
	[bflag:$0x2] =	sbarrier.arrive $0xFFFF  }
0x3f: {  	[sflag:s0] =	ssyncadd.tile.s32 @!p0 $0x1;
	_ =	shalt  }
.Lfunc_end2:
_tile_overlayer_lowered:
.L_overlay_start_2:
0x40: {  	(tag) =	ssettag $0x2  }
0x41: {  	s0 =	rddreg [dreg:$0x0];
	s2 =	stileid.u32  }
0x42: {  	s1 =	rddreg [dreg:$0x1];
	p0 =	sne.s32 s2, $0x0  }
0x43: {  	s3 =	rddreg [dreg:$0x2];
	[bflag:$0x3] =	sbarrier.arrive $0xFFFF;
	s2 =	simm.s32 @!p0 $0x1C02  }
0x44: {  	[timem:s3], [sflag:s2] =	dma.local @!p0 [hbm:s0], s1  }
0x45: {  	s0 =	simm.s32 @!p0 $0x2  }
0x46: {  	_ =	swait.ge @!p0 [sflag:s0], s1  }
0x47: {  	s1 =	ssub.s32 @!p0 $0x0, s1;
	[sflag:s0] =	ssyncset.done @!p0 $0x0  }
0x48: {  	[sflag:s0] =	ssyncadd.s32 @!p0 s1  }
0x49: {  	[bflag:$0x3] =	sbarrier.arrive $0xFFFF  }
0x4a: {  	_ =	shalt  }

</sc_bundles>
